<compile_context>
chip_gen: v7x
topology: tpu7x:2x2x1
jax: 0.10.2.dev20260603
libtpu: 0.0.44.dev20260713+nightly
codegen_flags: <defaults>
</compile_context>

<pallas_src>
import functools

import jax
import jax.numpy as jnp
from jax import lax
from jax.experimental import pallas as pl
from jax.experimental.pallas import tpu as pltpu
from jax.experimental.pallas import tpu_sc as plsc

B, D_IN, T = 4, 1024, 4096
CB_SIZE, CB_DIM = 8192, 8
CB_PAD = 128

TN = 1024
TN2 = 512


def _encode_body(z_ref, w_in_ref, in_b_ref, cb_n_ref, cb2_ref, ze_ref, idx_ref):
    z_blk = z_ref[0]
    w_in = w_in_ref[...]
    z_e = jnp.dot(w_in, z_blk, preferred_element_type=jnp.float32)
    z_e = z_e + in_b_ref[...]
    ze_ref[0] = z_e

    nrm = jnp.sqrt(jnp.sum(z_e * z_e, axis=0, keepdims=True))
    en = z_e / jnp.maximum(nrm, 1e-12)
    en2 = jnp.sum(en * en, axis=0, keepdims=True)

    m = jnp.dot(cb_n_ref[...], en, preferred_element_type=jnp.float32)
    dist = (en2 - 2.0 * m) + cb2_ref[...]

    half = CB_SIZE // 2
    iota = lax.broadcasted_iota(jnp.int32, (half, dist.shape[1]), 0)

    def half_argmin(vh, base):
        mn = jnp.min(vh, axis=0, keepdims=True)
        cand = jnp.where(vh == mn, iota, CB_SIZE)
        return mn, jnp.min(cand, axis=0, keepdims=True) + base

    v0, i0 = half_argmin(dist[:half], 0)
    v1, i1 = half_argmin(dist[half:], half)
    bv0 = v0.astype(jnp.bfloat16).astype(jnp.float32)
    idx = jnp.where(v1 < bv0, i1, i0)
    idx_ref[0] = jnp.broadcast_to(idx, (CB_DIM, idx.shape[1]))


def _encode(z, w_in, in_b, cb_n, cb2):
    grid = (B, T // TN)
    return pl.pallas_call(
        _encode_body,
        grid=grid,
        in_specs=[
            pl.BlockSpec((1, D_IN, TN), lambda b, t: (b, 0, t)),
            pl.BlockSpec((CB_DIM, D_IN), lambda b, t: (0, 0)),
            pl.BlockSpec((CB_DIM, 1), lambda b, t: (0, 0)),
            pl.BlockSpec((CB_SIZE, CB_DIM), lambda b, t: (0, 0)),
            pl.BlockSpec((CB_SIZE, 1), lambda b, t: (0, 0)),
        ],
        out_specs=[
            pl.BlockSpec((1, CB_DIM, TN), lambda b, t: (b, 0, t)),
            pl.BlockSpec((1, CB_DIM, TN), lambda b, t: (b, 0, t)),
        ],
        out_shape=[
            jax.ShapeDtypeStruct((B, CB_DIM, T), jnp.float32),
            jax.ShapeDtypeStruct((B, CB_DIM, T), jnp.int32),
        ],
    )(z, w_in, in_b, cb_n, cb2)


_IDX_CHUNK = 128


def _make_sc_gather(n_rows):
    info = plsc.get_sparse_core_info()
    nw = info.num_cores * info.num_subcores
    b_per_w = n_rows // nw
    n_chunks = b_per_w // _IDX_CHUNK

    mesh = plsc.VectorSubcoreMesh(core_axis_name="c", subcore_axis_name="s")

    @functools.partial(
        pl.kernel,
        mesh=mesh,
        out_type=jax.ShapeDtypeStruct((n_rows, CB_PAD), jnp.float32),
        scratch_types=[
            pltpu.VMEM((n_chunks, _IDX_CHUNK), jnp.int32),
            pltpu.VMEM((b_per_w, CB_PAD), jnp.float32),
            pltpu.SemaphoreType.DMA,
        ],
    )
    def gather(table_hbm, idx_hbm, out_hbm, idx_v, rows_v, sem):
        wid = lax.axis_index("s") * info.num_cores + lax.axis_index("c")
        pltpu.sync_copy(idx_hbm.at[wid], idx_v)
        copies = []
        for j in range(n_chunks):
            copies.append(
                pltpu.async_copy(
                    table_hbm.at[idx_v.at[j]],
                    rows_v.at[pl.ds(j * _IDX_CHUNK, _IDX_CHUNK)],
                    sem,
                )
            )
        for c in copies:
            c.wait()
        pltpu.sync_copy(rows_v, out_hbm.at[pl.ds(wid * b_per_w, b_per_w)])

    return gather


def _decode_body(zq_ref, w_out_ref, out_b_ref, out_ref):
    zq = zq_ref[0]
    w_out = w_out_ref[...]
    out = lax.dot_general(w_out, zq, (((1,), (1,)), ((), ())),
                          preferred_element_type=jnp.float32)
    out_ref[0] = out + out_b_ref[...]


def _decode(zq3, w_out_p, out_b):
    grid = (B, T // TN2)
    return pl.pallas_call(
        _decode_body,
        grid=grid,
        in_specs=[
            pl.BlockSpec((1, TN2, CB_PAD), lambda b, t: (b, t, 0)),
            pl.BlockSpec((D_IN, CB_PAD), lambda b, t: (0, 0)),
            pl.BlockSpec((D_IN, 1), lambda b, t: (0, 0)),
        ],
        out_specs=pl.BlockSpec((1, D_IN, TN2), lambda b, t: (b, 0, t)),
        out_shape=jax.ShapeDtypeStruct((B, D_IN, T), jnp.float32),
    )(zq3, w_out_p, out_b)


def _weight_norm(v, g):
    norm = jnp.sqrt(jnp.sum(v * v, axis=1, keepdims=True))
    return g[:, None] * v / norm


def kernel(z, in_v, in_g, in_b, out_v, out_g, out_b, codebook):
    w_in = _weight_norm(in_v, in_g)
    w_out = _weight_norm(out_v, out_g)
    cb_nrm = jnp.sqrt(jnp.sum(codebook * codebook, axis=1, keepdims=True))
    cb_n = codebook / jnp.maximum(cb_nrm, 1e-12)
    cb2 = jnp.sum(cb_n * cb_n, axis=1, keepdims=True)
    cb_pad = jnp.pad(codebook, ((0, 0), (0, CB_PAD - CB_DIM)))
    w_out_p = jnp.pad(w_out, ((0, 0), (0, CB_PAD - CB_DIM)))

    z_e, idx_bcast = _encode(z, w_in, in_b[:, None], cb_n, cb2)
    indices = idx_bcast[:, 0, :]

    idx_flat = indices.reshape(-1)
    n_rows = B * T
    info = plsc.get_sparse_core_info()
    nw = info.num_cores * info.num_subcores
    idx_grouped = idx_flat.reshape(nw, (n_rows // nw) // _IDX_CHUNK, _IDX_CHUNK)
    zq_rows = _make_sc_gather(n_rows)(cb_pad, idx_grouped)

    z_q_out = _decode(zq_rows.reshape(B, T, CB_PAD), w_out_p, out_b[:, None])

    zeros = jnp.zeros((B,), dtype=jnp.float32)
    return (z_q_out, zeros, zeros, indices, z_e)

# --- scband reference (transcript-rebuilt; emitter-appended) ---
"""Pipeline reference for scband-factorized-vector-quantize-17282948399510 (READ-ONLY COPY).

The authoritative reference and input builder live on the scoring server;
editing this copy changes nothing except your own understanding.
"""

import jax, jax.numpy as jnp
import numpy as np

B, D_IN, T = 4, 1024, 4096
CB_SIZE, CB_DIM = 8192, 8


def _weight_norm(v, g):
    # torch weight_norm with dim=0 for conv weight [out, in] (kernel_size=1 squeezed)
    norm = jnp.sqrt(jnp.sum(v * v, axis=1, keepdims=True))
    return g[:, None] * v / norm


def setup_inputs(seed: int = 0) -> dict:
    key = jax.random.key(seed)
    ks = jax.random.split(key, 8)
    z = jax.random.normal(ks[0], (B, D_IN, T), dtype=jnp.float32)
    in_v = jax.random.normal(ks[1], (CB_DIM, D_IN), dtype=jnp.float32) * 0.02
    in_g = jnp.ones((CB_DIM,), dtype=jnp.float32)
    in_b = jax.random.normal(ks[2], (CB_DIM,), dtype=jnp.float32) * 0.01
    out_v = jax.random.normal(ks[3], (D_IN, CB_DIM), dtype=jnp.float32) * 0.02
    out_g = jnp.ones((D_IN,), dtype=jnp.float32)
    out_b = jax.random.normal(ks[4], (D_IN,), dtype=jnp.float32) * 0.01
    codebook = jax.random.normal(ks[5], (CB_SIZE, CB_DIM), dtype=jnp.float32)
    return {"z": z, "in_v": in_v, "in_g": in_g, "in_b": in_b, "out_v": out_v, "out_g": out_g, "out_b": out_b, "codebook": codebook}


def reference(z, in_v, in_g, in_b, out_v, out_g, out_b, codebook):
    # in_project: weight-normed 1x1 Conv1d (== per-timestep linear)
    w_in = _weight_norm(in_v, in_g)  # [CB_DIM, D_IN]
    z_e = jnp.einsum('oc,bct->bot', w_in, z) + in_b[None, :, None]  # [B, CB_DIM, T]
    # decode_latents
    enc = jnp.transpose(z_e, (0, 2, 1)).reshape(-1, CB_DIM)  # (b t) d
    enc_n = enc / jnp.maximum(jnp.linalg.norm(enc, axis=1, keepdims=True), 1e-12)
    cb_n = codebook / jnp.maximum(jnp.linalg.norm(codebook, axis=1, keepdims=True), 1e-12)
    dist = jnp.sum(enc_n ** 2, axis=1, keepdims=True) - 2.0 * enc_n @ cb_n.T + jnp.sum(cb_n ** 2, axis=1, keepdims=True).T
    indices = jnp.argmax(-dist, axis=1).reshape(B, T)  # [B, T]
    z_q_cb = jnp.transpose(jnp.take(codebook, indices, axis=0), (0, 2, 1))  # [B, CB_DIM, T]
    # straight-through estimator
    z_q = z_e + jax.lax.stop_gradient(z_q_cb - z_e)
    # out_project
    w_out = _weight_norm(out_v, out_g)  # [D_IN, CB_DIM]
    z_q_out = jnp.einsum('oc,bct->bot', w_out, z_q) + out_b[None, :, None]  # [B, D_IN, T]
    commit_loss = jnp.zeros((B,), dtype=jnp.float32)
    codebook_loss = jnp.zeros((B,), dtype=jnp.float32)
    return (z_q_out, commit_loss, codebook_loss, indices, z_e)

if __name__ == "__main__":
    import jax
    _d = setup_inputs()
    print(jax.jit(kernel)(*tuple(_d.values())))

</pallas_src>

<mosaic_0001>
#map = affine_map<(d0, d1) -> (0, 0)>
#map1 = affine_map<(d0, d1) -> (0, 0, 0)>
module attributes {stable_mosaic.version = 14 : i64} {
  func.func @gather(%arg0: i32, %arg1: i32, %arg2: memref<8192x128xf32, #tpu.memory_space<hbm>>, %arg3: memref<32x4x128xi32, #tpu.memory_space<hbm>>, %arg4: memref<16384x128xf32, #tpu.memory_space<hbm>>, %arg5: memref<4x128xi32, #tpu.memory_space<vmem>>, %arg6: memref<512x128xf32, #tpu.memory_space<vmem>>, %arg7: memref<!tpu.dma_semaphore, #tpu.memory_space<semaphore_mem>>) attributes {dimension_semantics = [#tpu.dimension_semantics<core_parallel>, #tpu.dimension_semantics<subcore_parallel>], iteration_bounds = array<i64: 2, 16>, scalar_prefetch = 0 : i64, scratch_operands = 3 : i64, tpu.core_type = #tpu.core_type<sc_vector_subcore>, window_params = [{transform_indices = #map}, {transform_indices = #map1}, {transform_indices = #map}]} {
    %mul3A = arith.constant 2 : i32
    %mul3A_0 = arith.muli %arg1, %mul3A : i32
    %add3A = arith.addi %mul3A_0, %arg0 : i32
    "tpu.region"() ({
      %run_scoped3A = tpu.sem_alloc : memref<!tpu.dma_semaphore, #tpu.memory_space<semaphore_mem>>
      %dma_start3A_81 = arith.constant 0 : i32
      %dma_start3A_82 = arith.constant 0 : i32
      %dma_start3A_83 = tpu.memref_slice %arg3[%add3A, %dma_start3A_81, %dma_start3A_82] : memref<32x4x128xi32, #tpu.memory_space<hbm>> -> memref<1x4x128xi32, #tpu.memory_space<hbm>>
      %dma_start3A_84 = tpu.memref_squeeze %dma_start3A_83 : memref<1x4x128xi32, #tpu.memory_space<hbm>> -> memref<4x128xi32, #tpu.memory_space<hbm>>
      %dma_start3A_85 = arith.constant 0 : i32
      %dma_start3A_86 = arith.constant 0 : i32
      %dma_start3A_87 = tpu.memref_slice %arg3[%add3A, %dma_start3A_85, %dma_start3A_86] : memref<32x4x128xi32, #tpu.memory_space<hbm>> -> memref<1x4x128xi32, #tpu.memory_space<hbm>>
      %dma_start3A_88 = tpu.memref_squeeze %dma_start3A_87 : memref<1x4x128xi32, #tpu.memory_space<hbm>> -> memref<4x128xi32, #tpu.memory_space<hbm>>
      tpu.enqueue_dma source(%dma_start3A_88 : memref<4x128xi32, #tpu.memory_space<hbm>>) target(%arg5 : memref<4x128xi32, #tpu.memory_space<vmem>>) target_semaphore(%run_scoped3A : memref<!tpu.dma_semaphore, #tpu.memory_space<semaphore_mem>>)
      %dma_wait3A_89 = arith.constant 0 : i32
      %dma_wait3A_90 = arith.constant 0 : i32
      %dma_wait3A_91 = tpu.memref_slice %arg3[%add3A, %dma_wait3A_89, %dma_wait3A_90] : memref<32x4x128xi32, #tpu.memory_space<hbm>> -> memref<1x4x128xi32, #tpu.memory_space<hbm>>
      %dma_wait3A_92 = tpu.memref_squeeze %dma_wait3A_91 : memref<1x4x128xi32, #tpu.memory_space<hbm>> -> memref<4x128xi32, #tpu.memory_space<hbm>>
      %dma_wait3A_93 = arith.constant 0 : i32
      %dma_wait3A_94 = arith.constant 0 : i32
      %dma_wait3A_95 = tpu.memref_slice %arg3[%add3A, %dma_wait3A_93, %dma_wait3A_94] : memref<32x4x128xi32, #tpu.memory_space<hbm>> -> memref<1x4x128xi32, #tpu.memory_space<hbm>>
      %dma_wait3A_96 = tpu.memref_squeeze %dma_wait3A_95 : memref<1x4x128xi32, #tpu.memory_space<hbm>> -> memref<4x128xi32, #tpu.memory_space<hbm>>
      tpu.wait_dma2 semaphore(%run_scoped3A : memref<!tpu.dma_semaphore, #tpu.memory_space<semaphore_mem>>) src(%dma_wait3A_96 : memref<4x128xi32, #tpu.memory_space<hbm>>) dst(%arg5 : memref<4x128xi32, #tpu.memory_space<vmem>>)
      tpu.yield
    }) : () -> ()
    %dma_start3A = arith.constant 0 : i32
    %dma_start3A_1 = arith.constant 0 : i32
    %dma_start3A_2 = arith.constant 0 : i32
    %dma_start3A_3 = tpu.memref_slice %arg6[%dma_start3A_1, %dma_start3A_2] : memref<512x128xf32, #tpu.memory_space<vmem>> -> memref<128x128xf32, #tpu.memory_space<vmem>>
    %dma_start3A_4 = arith.constant 0 : i32
    %dma_start3A_5 = tpu.memref_slice %arg5[%dma_start3A, %dma_start3A_4] : memref<4x128xi32, #tpu.memory_space<vmem>> -> memref<1x128xi32, #tpu.memory_space<vmem>>
    %dma_start3A_6 = tpu.memref_squeeze %dma_start3A_5 : memref<1x128xi32, #tpu.memory_space<vmem>> -> memref<128xi32, #tpu.memory_space<vmem>>
    %dma_start3A_7 = arith.constant 0 : i32
    %dma_start3A_8 = arith.constant 0 : i32
    %dma_start3A_9 = tpu.memref_slice %arg2[%dma_start3A_7, %dma_start3A_8] : memref<8192x128xf32, #tpu.memory_space<hbm>> -> memref<8192x128xf32, #tpu.memory_space<hbm>>
    tpu.enqueue_indirect_dma source(%dma_start3A_9 : memref<8192x128xf32, #tpu.memory_space<hbm>>) target(%dma_start3A_3 : memref<128x128xf32, #tpu.memory_space<vmem>>) offsets(%dma_start3A_6 : memref<128xi32, #tpu.memory_space<vmem>>) semaphore(%arg7 : memref<!tpu.dma_semaphore, #tpu.memory_space<semaphore_mem>>)
    %dma_start3A_10 = arith.constant 1 : i32
    %dma_start3A_11 = arith.constant 128 : i32
    %dma_start3A_12 = arith.constant 0 : i32
    %dma_start3A_13 = tpu.memref_slice %arg6[%dma_start3A_11, %dma_start3A_12] : memref<512x128xf32, #tpu.memory_space<vmem>> -> memref<128x128xf32, #tpu.memory_space<vmem>>
    %dma_start3A_14 = arith.constant 0 : i32
    %dma_start3A_15 = tpu.memref_slice %arg5[%dma_start3A_10, %dma_start3A_14] : memref<4x128xi32, #tpu.memory_space<vmem>> -> memref<1x128xi32, #tpu.memory_space<vmem>>
    %dma_start3A_16 = tpu.memref_squeeze %dma_start3A_15 : memref<1x128xi32, #tpu.memory_space<vmem>> -> memref<128xi32, #tpu.memory_space<vmem>>
    %dma_start3A_17 = arith.constant 0 : i32
    %dma_start3A_18 = arith.constant 0 : i32
    %dma_start3A_19 = tpu.memref_slice %arg2[%dma_start3A_17, %dma_start3A_18] : memref<8192x128xf32, #tpu.memory_space<hbm>> -> memref<8192x128xf32, #tpu.memory_space<hbm>>
    tpu.enqueue_indirect_dma source(%dma_start3A_19 : memref<8192x128xf32, #tpu.memory_space<hbm>>) target(%dma_start3A_13 : memref<128x128xf32, #tpu.memory_space<vmem>>) offsets(%dma_start3A_16 : memref<128xi32, #tpu.memory_space<vmem>>) semaphore(%arg7 : memref<!tpu.dma_semaphore, #tpu.memory_space<semaphore_mem>>)
    %dma_start3A_20 = arith.constant 2 : i32
    %dma_start3A_21 = arith.constant 256 : i32
    %dma_start3A_22 = arith.constant 0 : i32
    %dma_start3A_23 = tpu.memref_slice %arg6[%dma_start3A_21, %dma_start3A_22] : memref<512x128xf32, #tpu.memory_space<vmem>> -> memref<128x128xf32, #tpu.memory_space<vmem>>
    %dma_start3A_24 = arith.constant 0 : i32
    %dma_start3A_25 = tpu.memref_slice %arg5[%dma_start3A_20, %dma_start3A_24] : memref<4x128xi32, #tpu.memory_space<vmem>> -> memref<1x128xi32, #tpu.memory_space<vmem>>
    %dma_start3A_26 = tpu.memref_squeeze %dma_start3A_25 : memref<1x128xi32, #tpu.memory_space<vmem>> -> memref<128xi32, #tpu.memory_space<vmem>>
    %dma_start3A_27 = arith.constant 0 : i32
    %dma_start3A_28 = arith.constant 0 : i32
    %dma_start3A_29 = tpu.memref_slice %arg2[%dma_start3A_27, %dma_start3A_28] : memref<8192x128xf32, #tpu.memory_space<hbm>> -> memref<8192x128xf32, #tpu.memory_space<hbm>>
    tpu.enqueue_indirect_dma source(%dma_start3A_29 : memref<8192x128xf32, #tpu.memory_space<hbm>>) target(%dma_start3A_23 : memref<128x128xf32, #tpu.memory_space<vmem>>) offsets(%dma_start3A_26 : memref<128xi32, #tpu.memory_space<vmem>>) semaphore(%arg7 : memref<!tpu.dma_semaphore, #tpu.memory_space<semaphore_mem>>)
    %dma_start3A_30 = arith.constant 3 : i32
    %dma_start3A_31 = arith.constant 384 : i32
    %dma_start3A_32 = arith.constant 0 : i32
    %dma_start3A_33 = tpu.memref_slice %arg6[%dma_start3A_31, %dma_start3A_32] : memref<512x128xf32, #tpu.memory_space<vmem>> -> memref<128x128xf32, #tpu.memory_space<vmem>>
    %dma_start3A_34 = arith.constant 0 : i32
    %dma_start3A_35 = tpu.memref_slice %arg5[%dma_start3A_30, %dma_start3A_34] : memref<4x128xi32, #tpu.memory_space<vmem>> -> memref<1x128xi32, #tpu.memory_space<vmem>>
    %dma_start3A_36 = tpu.memref_squeeze %dma_start3A_35 : memref<1x128xi32, #tpu.memory_space<vmem>> -> memref<128xi32, #tpu.memory_space<vmem>>
    %dma_start3A_37 = arith.constant 0 : i32
    %dma_start3A_38 = arith.constant 0 : i32
    %dma_start3A_39 = tpu.memref_slice %arg2[%dma_start3A_37, %dma_start3A_38] : memref<8192x128xf32, #tpu.memory_space<hbm>> -> memref<8192x128xf32, #tpu.memory_space<hbm>>
    tpu.enqueue_indirect_dma source(%dma_start3A_39 : memref<8192x128xf32, #tpu.memory_space<hbm>>) target(%dma_start3A_33 : memref<128x128xf32, #tpu.memory_space<vmem>>) offsets(%dma_start3A_36 : memref<128xi32, #tpu.memory_space<vmem>>) semaphore(%arg7 : memref<!tpu.dma_semaphore, #tpu.memory_space<semaphore_mem>>)
    %dma_wait3A = arith.constant 0 : i32
    %dma_wait3A_40 = arith.constant 0 : i32
    %dma_wait3A_41 = arith.constant 0 : i32
    %dma_wait3A_42 = tpu.memref_slice %arg6[%dma_wait3A_40, %dma_wait3A_41] : memref<512x128xf32, #tpu.memory_space<vmem>> -> memref<128x128xf32, #tpu.memory_space<vmem>>
    %dma_wait3A_43 = arith.constant 0 : i32
    %dma_wait3A_44 = tpu.memref_slice %arg5[%dma_wait3A, %dma_wait3A_43] : memref<4x128xi32, #tpu.memory_space<vmem>> -> memref<1x128xi32, #tpu.memory_space<vmem>>
    %dma_wait3A_45 = tpu.memref_squeeze %dma_wait3A_44 : memref<1x128xi32, #tpu.memory_space<vmem>> -> memref<128xi32, #tpu.memory_space<vmem>>
    %dma_wait3A_46 = arith.constant 0 : i32
    %dma_wait3A_47 = arith.constant 0 : i32
    %dma_wait3A_48 = tpu.memref_slice %arg2[%dma_wait3A_46, %dma_wait3A_47] : memref<8192x128xf32, #tpu.memory_space<hbm>> -> memref<8192x128xf32, #tpu.memory_space<hbm>>
    tpu.wait_indirect_dma semaphore(%arg7 : memref<!tpu.dma_semaphore, #tpu.memory_space<semaphore_mem>>) src(%dma_wait3A_48 : memref<8192x128xf32, #tpu.memory_space<hbm>>) dst(%dma_wait3A_42 : memref<128x128xf32, #tpu.memory_space<vmem>>)
    %dma_wait3A_49 = arith.constant 1 : i32
    %dma_wait3A_50 = arith.constant 128 : i32
    %dma_wait3A_51 = arith.constant 0 : i32
    %dma_wait3A_52 = tpu.memref_slice %arg6[%dma_wait3A_50, %dma_wait3A_51] : memref<512x128xf32, #tpu.memory_space<vmem>> -> memref<128x128xf32, #tpu.memory_space<vmem>>
    %dma_wait3A_53 = arith.constant 0 : i32
    %dma_wait3A_54 = tpu.memref_slice %arg5[%dma_wait3A_49, %dma_wait3A_53] : memref<4x128xi32, #tpu.memory_space<vmem>> -> memref<1x128xi32, #tpu.memory_space<vmem>>
    %dma_wait3A_55 = tpu.memref_squeeze %dma_wait3A_54 : memref<1x128xi32, #tpu.memory_space<vmem>> -> memref<128xi32, #tpu.memory_space<vmem>>
    %dma_wait3A_56 = arith.constant 0 : i32
    %dma_wait3A_57 = arith.constant 0 : i32
    %dma_wait3A_58 = tpu.memref_slice %arg2[%dma_wait3A_56, %dma_wait3A_57] : memref<8192x128xf32, #tpu.memory_space<hbm>> -> memref<8192x128xf32, #tpu.memory_space<hbm>>
    tpu.wait_indirect_dma semaphore(%arg7 : memref<!tpu.dma_semaphore, #tpu.memory_space<semaphore_mem>>) src(%dma_wait3A_58 : memref<8192x128xf32, #tpu.memory_space<hbm>>) dst(%dma_wait3A_52 : memref<128x128xf32, #tpu.memory_space<vmem>>)
    %dma_wait3A_59 = arith.constant 2 : i32
    %dma_wait3A_60 = arith.constant 256 : i32
    %dma_wait3A_61 = arith.constant 0 : i32
    %dma_wait3A_62 = tpu.memref_slice %arg6[%dma_wait3A_60, %dma_wait3A_61] : memref<512x128xf32, #tpu.memory_space<vmem>> -> memref<128x128xf32, #tpu.memory_space<vmem>>
    %dma_wait3A_63 = arith.constant 0 : i32
    %dma_wait3A_64 = tpu.memref_slice %arg5[%dma_wait3A_59, %dma_wait3A_63] : memref<4x128xi32, #tpu.memory_space<vmem>> -> memref<1x128xi32, #tpu.memory_space<vmem>>
    %dma_wait3A_65 = tpu.memref_squeeze %dma_wait3A_64 : memref<1x128xi32, #tpu.memory_space<vmem>> -> memref<128xi32, #tpu.memory_space<vmem>>
    %dma_wait3A_66 = arith.constant 0 : i32
    %dma_wait3A_67 = arith.constant 0 : i32
    %dma_wait3A_68 = tpu.memref_slice %arg2[%dma_wait3A_66, %dma_wait3A_67] : memref<8192x128xf32, #tpu.memory_space<hbm>> -> memref<8192x128xf32, #tpu.memory_space<hbm>>
    tpu.wait_indirect_dma semaphore(%arg7 : memref<!tpu.dma_semaphore, #tpu.memory_space<semaphore_mem>>) src(%dma_wait3A_68 : memref<8192x128xf32, #tpu.memory_space<hbm>>) dst(%dma_wait3A_62 : memref<128x128xf32, #tpu.memory_space<vmem>>)
    %dma_wait3A_69 = arith.constant 3 : i32
    %dma_wait3A_70 = arith.constant 384 : i32
    %dma_wait3A_71 = arith.constant 0 : i32
    %dma_wait3A_72 = tpu.memref_slice %arg6[%dma_wait3A_70, %dma_wait3A_71] : memref<512x128xf32, #tpu.memory_space<vmem>> -> memref<128x128xf32, #tpu.memory_space<vmem>>
    %dma_wait3A_73 = arith.constant 0 : i32
    %dma_wait3A_74 = tpu.memref_slice %arg5[%dma_wait3A_69, %dma_wait3A_73] : memref<4x128xi32, #tpu.memory_space<vmem>> -> memref<1x128xi32, #tpu.memory_space<vmem>>
    %dma_wait3A_75 = tpu.memref_squeeze %dma_wait3A_74 : memref<1x128xi32, #tpu.memory_space<vmem>> -> memref<128xi32, #tpu.memory_space<vmem>>
    %dma_wait3A_76 = arith.constant 0 : i32
    %dma_wait3A_77 = arith.constant 0 : i32
    %dma_wait3A_78 = tpu.memref_slice %arg2[%dma_wait3A_76, %dma_wait3A_77] : memref<8192x128xf32, #tpu.memory_space<hbm>> -> memref<8192x128xf32, #tpu.memory_space<hbm>>
    tpu.wait_indirect_dma semaphore(%arg7 : memref<!tpu.dma_semaphore, #tpu.memory_space<semaphore_mem>>) src(%dma_wait3A_78 : memref<8192x128xf32, #tpu.memory_space<hbm>>) dst(%dma_wait3A_72 : memref<128x128xf32, #tpu.memory_space<vmem>>)
    %mul3A_79 = arith.constant 512 : i32
    %mul3A_80 = arith.muli %add3A, %mul3A_79 : i32
    "tpu.region"() ({
      %run_scoped3A = tpu.sem_alloc : memref<!tpu.dma_semaphore, #tpu.memory_space<semaphore_mem>>
      %dma_start3A_81 = arith.constant 0 : i32
      %dma_start3A_82 = tpu.memref_slice %arg4[%mul3A_80, %dma_start3A_81] : memref<16384x128xf32, #tpu.memory_space<hbm>> -> memref<512x128xf32, #tpu.memory_space<hbm>>
      %dma_start3A_83 = arith.constant 0 : i32
      %dma_start3A_84 = tpu.memref_slice %arg4[%mul3A_80, %dma_start3A_83] : memref<16384x128xf32, #tpu.memory_space<hbm>> -> memref<512x128xf32, #tpu.memory_space<hbm>>
      tpu.enqueue_dma source(%arg6 : memref<512x128xf32, #tpu.memory_space<vmem>>) target(%dma_start3A_84 : memref<512x128xf32, #tpu.memory_space<hbm>>) target_semaphore(%run_scoped3A : memref<!tpu.dma_semaphore, #tpu.memory_space<semaphore_mem>>)
      %dma_wait3A_85 = arith.constant 0 : i32
      %dma_wait3A_86 = tpu.memref_slice %arg4[%mul3A_80, %dma_wait3A_85] : memref<16384x128xf32, #tpu.memory_space<hbm>> -> memref<512x128xf32, #tpu.memory_space<hbm>>
      %dma_wait3A_87 = arith.constant 0 : i32
      %dma_wait3A_88 = tpu.memref_slice %arg4[%mul3A_80, %dma_wait3A_87] : memref<16384x128xf32, #tpu.memory_space<hbm>> -> memref<512x128xf32, #tpu.memory_space<hbm>>
      tpu.wait_dma2 semaphore(%run_scoped3A : memref<!tpu.dma_semaphore, #tpu.memory_space<semaphore_mem>>) src(%arg6 : memref<512x128xf32, #tpu.memory_space<vmem>>) dst(%dma_wait3A_88 : memref<512x128xf32, #tpu.memory_space<hbm>>)
      tpu.yield
    }) : () -> ()
    return
  }
}

module attributes {stable_mosaic.version = 14 : i64} {
  func.func @_encode_body(%arg0: i32, %arg1: i32, %arg2: memref<1x1024x1024xf32, #tpu.memory_space<vmem>>, %arg3: memref<8x1024xf32, #tpu.memory_space<vmem>>, %arg4: memref<8x1xf32, #tpu.memory_space<vmem>>, %arg5: memref<8192x8xf32, #tpu.memory_space<vmem>>, %arg6: memref<8192x1xf32, #tpu.memory_space<vmem>>, %arg7: memref<1x8x1024xf32, #tpu.memory_space<vmem>>, %arg8: memref<1x8x1024xi32, #tpu.memory_space<vmem>>) attributes {dimension_semantics = [#tpu.dimension_semantics<arbitrary>, #tpu.dimension_semantics<arbitrary>], iteration_bounds = array<i64: 4, 4>, scalar_prefetch = 0 : i64, scratch_operands = 0 : i64, tpu.core_type = #tpu.core_type<tc>, window_params = [{transform_indices = @transform_0, window_bounds = array<i64: 1, 1024, 1024>}, {pipeline_mode = #tpu.pipeline_mode<synchronous>, transform_indices = @transform_1, window_bounds = array<i64: 8, 1024>}, {pipeline_mode = #tpu.pipeline_mode<synchronous>, transform_indices = @transform_2, window_bounds = array<i64: 8, 1>}, {pipeline_mode = #tpu.pipeline_mode<synchronous>, transform_indices = @transform_3, window_bounds = array<i64: 8192, 8>}, {pipeline_mode = #tpu.pipeline_mode<synchronous>, transform_indices = @transform_4, window_bounds = array<i64: 8192, 1>}, {transform_indices = @transform_5, window_bounds = array<i64: 1, 8, 1024>}, {transform_indices = @transform_6, window_bounds = array<i64: 1, 8, 1024>}]} {
    %get3A = arith.constant 0 : index
    %get3A_0 = arith.constant 0 : index
    %get3A_1 = arith.constant 0 : index
    %get3A_2 = vector.load %arg2[%get3A, %get3A_0, %get3A_1] : memref<1x1024x1024xf32, #tpu.memory_space<vmem>>, vector<1x1024x1024xf32>
    %get3A_3 = vector.shape_cast %get3A_2 : vector<1x1024x1024xf32> to vector<1024x1024xf32>
    %get3A_4 = arith.constant 0 : index
    %get3A_5 = arith.constant 0 : index
    %get3A_6 = vector.load %arg3[%get3A_4, %get3A_5] : memref<8x1024xf32, #tpu.memory_space<vmem>>, vector<8x1024xf32>
    %dot_general3A = arith.constant dense<0.000000e+00> : vector<8x1024xf32>
    %dot_general3A_7 = tpu.matmul %get3A_6, %get3A_3, %dot_general3A {dimension_numbers = #tpu.dot_dimension_numbers<[1], [0], [0], [1], [0, 0, 1, 1], [], []>, transpose_lhs_hint = false} : vector<8x1024xf32>, vector<1024x1024xf32>, vector<8x1024xf32> -> vector<8x1024xf32>
    %get3A_8 = arith.constant 0 : index
    %get3A_9 = arith.constant 0 : index
    %get3A_10 = vector.load %arg4[%get3A_8, %get3A_9] : memref<8x1xf32, #tpu.memory_space<vmem>>, vector<8x1xf32>
    %add3A = vector.broadcast %get3A_10 : vector<8x1xf32> to vector<8x1024xf32>
    %add3A_11 = arith.addf %dot_general3A_7, %add3A : vector<8x1024xf32>
    %swap3A = arith.constant 0 : index
    %swap3A_12 = arith.constant 0 : index
    %swap3A_13 = arith.constant 0 : index
    %swap3A_14 = vector.load %arg7[%swap3A, %swap3A_12, %swap3A_13] : memref<1x8x1024xf32, #tpu.memory_space<vmem>>, vector<1x8x1024xf32>
    %swap3A_15 = vector.shape_cast %swap3A_14 : vector<1x8x1024xf32> to vector<8x1024xf32>
    %swap3A_16 = vector.shape_cast %add3A_11 : vector<8x1024xf32> to vector<1x8x1024xf32>
    tpu.vector_store %arg7[%swap3A, %swap3A_12, %swap3A_13], %swap3A_16 {strides = array<i32>} : memref<1x8x1024xf32, #tpu.memory_space<vmem>>, vector<1x8x1024xf32>,
    %mul3A = arith.mulf %add3A_11, %add3A_11 : vector<8x1024xf32>
    %reduce_sum3A = arith.constant dense<0.000000e+00> : vector<1024xf32>
    %reduce_sum3A_17 = vector.multi_reduction <add>, %mul3A, %reduce_sum3A [0] : vector<8x1024xf32> to vector<1024xf32>
    %broadcast_in_dim3A = vector.shape_cast %reduce_sum3A_17 : vector<1024xf32> to vector<1x1024xf32>
    %sqrt3A = math.sqrt %broadcast_in_dim3A : vector<1x1024xf32>
    %max3A = arith.constant 9.99999996E-13 : f32
    %max3A_18 = vector.broadcast %max3A : f32 to vector<1x1024xf32>
    %max3A_19 = arith.maximumf %sqrt3A, %max3A_18 : vector<1x1024xf32>
    %div3A = vector.broadcast %max3A_19 : vector<1x1024xf32> to vector<8x1024xf32>
    %div3A_20 = arith.divf %add3A_11, %div3A : vector<8x1024xf32>
    %mul3A_21 = arith.mulf %div3A_20, %div3A_20 : vector<8x1024xf32>
    %reduce_sum3A_22 = arith.constant dense<0.000000e+00> : vector<1024xf32>
    %reduce_sum3A_23 = vector.multi_reduction <add>, %mul3A_21, %reduce_sum3A_22 [0] : vector<8x1024xf32> to vector<1024xf32>
    %broadcast_in_dim3A_24 = vector.shape_cast %reduce_sum3A_23 : vector<1024xf32> to vector<1x1024xf32>
    %get3A_25 = arith.constant 0 : index
    %get3A_26 = arith.constant 0 : index
    %get3A_27 = vector.load %arg5[%get3A_25, %get3A_26] : memref<8192x8xf32, #tpu.memory_space<vmem>>, vector<8192x8xf32>
    %dot_general3A_28 = arith.constant dense<0.000000e+00> : vector<8192x1024xf32>
    %dot_general3A_29 = tpu.matmul %get3A_27, %div3A_20, %dot_general3A_28 {dimension_numbers = #tpu.dot_dimension_numbers<[1], [0], [0], [1], [0, 0, 1, 1], [], []>, transpose_lhs_hint = false} : vector<8192x8xf32>, vector<8x1024xf32>, vector<8192x1024xf32> -> vector<8192x1024xf32>
    %mul3A_30 = arith.constant 2.000000e+00 : f32
    %mul3A_31 = vector.broadcast %mul3A_30 : f32 to vector<8192x1024xf32>
    %mul3A_32 = arith.mulf %mul3A_31, %dot_general3A_29 : vector<8192x1024xf32>
    %sub3A = vector.broadcast %broadcast_in_dim3A_24 : vector<1x1024xf32> to vector<8192x1024xf32>
    %sub3A_33 = arith.subf %sub3A, %mul3A_32 : vector<8192x1024xf32>
    %get3A_34 = arith.constant 0 : index
    %get3A_35 = arith.constant 0 : index
    %get3A_36 = vector.load %arg6[%get3A_34, %get3A_35] : memref<8192x1xf32, #tpu.memory_space<vmem>>, vector<8192x1xf32>
    %add3A_37 = vector.broadcast %get3A_36 : vector<8192x1xf32> to vector<8192x1024xf32>
    %add3A_38 = arith.addf %sub3A_33, %add3A_37 : vector<8192x1024xf32>
    %iota3A = tpu.iota {dimensions = array<i32: 0>} : vector<4096x1024xi32>
    %slice3A = vector.extract_strided_slice %add3A_38 {offsets = [0, 0], sizes = [4096, 1024], strides = [1, 1]} : vector<8192x1024xf32> to vector<4096x1024xf32>
    %reduce_min3A = arith.constant dense<0x7F800000> : vector<1024xf32>
    %reduce_min3A_39 = vector.multi_reduction <minimumf>, %slice3A, %reduce_min3A [0] : vector<4096x1024xf32> to vector<1024xf32>
    %broadcast_in_dim3A_40 = vector.shape_cast %reduce_min3A_39 : vector<1024xf32> to vector<1x1024xf32>
    %eq3A = vector.broadcast %broadcast_in_dim3A_40 : vector<1x1024xf32> to vector<4096x1024xf32>
    %eq3A_41 = arith.cmpf oeq, %slice3A, %eq3A : vector<4096x1024xf32>
    %jit3A = arith.constant 8192 : i32
    %broadcast_in_dim3A_42 = vector.broadcast %jit3A : i32 to vector<4096x1024xi32>
    %select_n3A = arith.select %eq3A_41, %iota3A, %broadcast_in_dim3A_42 : vector<4096x1024xi1>, vector<4096x1024xi32>
    %reduce_min3A_43 = arith.constant dense<2147483647> : vector<1024xi32>
    %reduce_min3A_44 = vector.multi_reduction <minsi>, %select_n3A, %reduce_min3A_43 [0] : vector<4096x1024xi32> to vector<1024xi32>
    %broadcast_in_dim3A_45 = vector.shape_cast %reduce_min3A_44 : vector<1024xi32> to vector<1x1024xi32>
    %add3A_46 = arith.constant 0 : i32
    %add3A_47 = vector.broadcast %add3A_46 : i32 to vector<1x1024xi32>
    %add3A_48 = arith.addi %broadcast_in_dim3A_45, %add3A_47 : vector<1x1024xi32>
    %slice3A_49 = vector.extract_strided_slice %add3A_38 {offsets = [4096, 0], sizes = [4096, 1024], strides = [1, 1]} : vector<8192x1024xf32> to vector<4096x1024xf32>
    %reduce_min3A_50 = arith.constant dense<0x7F800000> : vector<1024xf32>
    %reduce_min3A_51 = vector.multi_reduction <minimumf>, %slice3A_49, %reduce_min3A_50 [0] : vector<4096x1024xf32> to vector<1024xf32>
    %broadcast_in_dim3A_52 = vector.shape_cast %reduce_min3A_51 : vector<1024xf32> to vector<1x1024xf32>
    %eq3A_53 = vector.broadcast %broadcast_in_dim3A_52 : vector<1x1024xf32> to vector<4096x1024xf32>
    %eq3A_54 = arith.cmpf oeq, %slice3A_49, %eq3A_53 : vector<4096x1024xf32>
    %jit3A_55 = arith.constant 8192 : i32
    %broadcast_in_dim3A_56 = vector.broadcast %jit3A_55 : i32 to vector<4096x1024xi32>
    %select_n3A_57 = arith.select %eq3A_54, %iota3A, %broadcast_in_dim3A_56 : vector<4096x1024xi1>, vector<4096x1024xi32>
    %reduce_min3A_58 = arith.constant dense<2147483647> : vector<1024xi32>
    %reduce_min3A_59 = vector.multi_reduction <minsi>, %select_n3A_57, %reduce_min3A_58 [0] : vector<4096x1024xi32> to vector<1024xi32>
    %broadcast_in_dim3A_60 = vector.shape_cast %reduce_min3A_59 : vector<1024xi32> to vector<1x1024xi32>
    %add3A_61 = arith.constant 4096 : i32
    %add3A_62 = vector.broadcast %add3A_61 : i32 to vector<1x1024xi32>
    %add3A_63 = arith.addi %broadcast_in_dim3A_60, %add3A_62 : vector<1x1024xi32>
    %convert_element_type3A = arith.truncf %broadcast_in_dim3A_40 : vector<1x1024xf32> to vector<1x1024xbf16>
    %convert_element_type3A_64 = arith.extf %convert_element_type3A : vector<1x1024xbf16> to vector<1x1024xf32>
    %lt3A = arith.cmpf olt, %broadcast_in_dim3A_52, %convert_element_type3A_64 : vector<1x1024xf32>
    %select_n3A_65 = arith.select %lt3A, %add3A_63, %add3A_48 : vector<1x1024xi1>, vector<1x1024xi32>
    %broadcast_in_dim3A_66 = vector.shape_cast %select_n3A_65 : vector<1x1024xi32> to vector<1x1024xi32>
    %broadcast_in_dim3A_67 = vector.broadcast %broadcast_in_dim3A_66 : vector<1x1024xi32> to vector<8x1024xi32>
    %swap3A_68 = arith.constant 0 : index
    %swap3A_69 = arith.constant 0 : index
    %swap3A_70 = arith.constant 0 : index
    %swap3A_71 = vector.load %arg8[%swap3A_68, %swap3A_69, %swap3A_70] : memref<1x8x1024xi32, #tpu.memory_space<vmem>>, vector<1x8x1024xi32>
    %swap3A_72 = vector.shape_cast %swap3A_71 : vector<1x8x1024xi32> to vector<8x1024xi32>
    %swap3A_73 = vector.shape_cast %broadcast_in_dim3A_67 : vector<8x1024xi32> to vector<1x8x1024xi32>
    tpu.vector_store %arg8[%swap3A_68, %swap3A_69, %swap3A_70], %swap3A_73 {strides = array<i32>} : memref<1x8x1024xi32, #tpu.memory_space<vmem>>, vector<1x8x1024xi32>,
    return
  }
  func.func @transform_0(%arg0: i32, %arg1: i32) -> (i32, i32, i32) {
    %c0_i32 = arith.constant 0 : i32
    %c0_i32_0 = arith.constant 0 : i32
    return %arg0, %c0_i32, %arg1 : i32, i32, i32
  }
  func.func @transform_1(%arg0: i32, %arg1: i32) -> (i32, i32) {
    %c0_i32 = arith.constant 0 : i32
    %c0_i32_0 = arith.constant 0 : i32
    %c0_i32_1 = arith.constant 0 : i32
    return %c0_i32, %c0_i32_0 : i32, i32
  }
  func.func @transform_2(%arg0: i32, %arg1: i32) -> (i32, i32) {
    %c0_i32 = arith.constant 0 : i32
    %c0_i32_0 = arith.constant 0 : i32
    %c0_i32_1 = arith.constant 0 : i32
    return %c0_i32, %c0_i32_0 : i32, i32
  }
  func.func @transform_3(%arg0: i32, %arg1: i32) -> (i32, i32) {
    %c0_i32 = arith.constant 0 : i32
    %c0_i32_0 = arith.constant 0 : i32
    %c0_i32_1 = arith.constant 0 : i32
    return %c0_i32, %c0_i32_0 : i32, i32
  }
  func.func @transform_4(%arg0: i32, %arg1: i32) -> (i32, i32) {
    %c0_i32 = arith.constant 0 : i32
    %c0_i32_0 = arith.constant 0 : i32
    %c0_i32_1 = arith.constant 0 : i32
    return %c0_i32, %c0_i32_0 : i32, i32
  }
  func.func @transform_5(%arg0: i32, %arg1: i32) -> (i32, i32, i32) {
    %c0_i32 = arith.constant 0 : i32
    %c0_i32_0 = arith.constant 0 : i32
    return %arg0, %c0_i32, %arg1 : i32, i32, i32
  }
  func.func @transform_6(%arg0: i32, %arg1: i32) -> (i32, i32, i32) {
    %c0_i32 = arith.constant 0 : i32
    %c0_i32_0 = arith.constant 0 : i32
    return %arg0, %c0_i32, %arg1 : i32, i32, i32
  }
}

module attributes {stable_mosaic.version = 14 : i64} {
  func.func @_decode_body(%arg0: i32, %arg1: i32, %arg2: memref<1x512x128xf32, #tpu.memory_space<vmem>>, %arg3: memref<1024x128xf32, #tpu.memory_space<vmem>>, %arg4: memref<1024x1xf32, #tpu.memory_space<vmem>>, %arg5: memref<1x1024x512xf32, #tpu.memory_space<vmem>>) attributes {dimension_semantics = [#tpu.dimension_semantics<arbitrary>, #tpu.dimension_semantics<arbitrary>], iteration_bounds = array<i64: 4, 8>, scalar_prefetch = 0 : i64, scratch_operands = 0 : i64, tpu.core_type = #tpu.core_type<tc>, window_params = [{transform_indices = @transform_0, window_bounds = array<i64: 1, 512, 128>}, {pipeline_mode = #tpu.pipeline_mode<synchronous>, transform_indices = @transform_1, window_bounds = array<i64: 1024, 128>}, {pipeline_mode = #tpu.pipeline_mode<synchronous>, transform_indices = @transform_2, window_bounds = array<i64: 1024, 1>}, {transform_indices = @transform_3, window_bounds = array<i64: 1, 1024, 512>}]} {
    %get3A = arith.constant 0 : index
    %get3A_0 = arith.constant 0 : index
    %get3A_1 = arith.constant 0 : index
    %get3A_2 = vector.load %arg2[%get3A, %get3A_0, %get3A_1] : memref<1x512x128xf32, #tpu.memory_space<vmem>>, vector<1x512x128xf32>
    %get3A_3 = vector.shape_cast %get3A_2 : vector<1x512x128xf32> to vector<512x128xf32>
    %get3A_4 = arith.constant 0 : index
    %get3A_5 = arith.constant 0 : index
    %get3A_6 = vector.load %arg3[%get3A_4, %get3A_5] : memref<1024x128xf32, #tpu.memory_space<vmem>>, vector<1024x128xf32>
    %dot_general3A = arith.constant dense<0.000000e+00> : vector<1024x512xf32>
    %dot_general3A_7 = tpu.matmul %get3A_6, %get3A_3, %dot_general3A {dimension_numbers = #tpu.dot_dimension_numbers<[1], [1], [0], [0], [0, 0, 1, 0], [], []>, transpose_lhs_hint = false} : vector<1024x128xf32>, vector<512x128xf32>, vector<1024x512xf32> -> vector<1024x512xf32>
    %get3A_8 = arith.constant 0 : index
    %get3A_9 = arith.constant 0 : index
    %get3A_10 = vector.load %arg4[%get3A_8, %get3A_9] : memref<1024x1xf32, #tpu.memory_space<vmem>>, vector<1024x1xf32>
    %add3A = vector.broadcast %get3A_10 : vector<1024x1xf32> to vector<1024x512xf32>
    %add3A_11 = arith.addf %dot_general3A_7, %add3A : vector<1024x512xf32>
    %swap3A = arith.constant 0 : index
    %swap3A_12 = arith.constant 0 : index
    %swap3A_13 = arith.constant 0 : index
    %swap3A_14 = vector.load %arg5[%swap3A, %swap3A_12, %swap3A_13] : memref<1x1024x512xf32, #tpu.memory_space<vmem>>, vector<1x1024x512xf32>
    %swap3A_15 = vector.shape_cast %swap3A_14 : vector<1x1024x512xf32> to vector<1024x512xf32>
    %swap3A_16 = vector.shape_cast %add3A_11 : vector<1024x512xf32> to vector<1x1024x512xf32>
    tpu.vector_store %arg5[%swap3A, %swap3A_12, %swap3A_13], %swap3A_16 {strides = array<i32>} : memref<1x1024x512xf32, #tpu.memory_space<vmem>>, vector<1x1024x512xf32>,
    return
  }
  func.func @transform_0(%arg0: i32, %arg1: i32) -> (i32, i32, i32) {
    %c0_i32 = arith.constant 0 : i32
    %c0_i32_0 = arith.constant 0 : i32
    return %arg0, %arg1, %c0_i32 : i32, i32, i32
  }
  func.func @transform_1(%arg0: i32, %arg1: i32) -> (i32, i32) {
    %c0_i32 = arith.constant 0 : i32
    %c0_i32_0 = arith.constant 0 : i32
    %c0_i32_1 = arith.constant 0 : i32
    return %c0_i32, %c0_i32_0 : i32, i32
  }
  func.func @transform_2(%arg0: i32, %arg1: i32) -> (i32, i32) {
    %c0_i32 = arith.constant 0 : i32
    %c0_i32_0 = arith.constant 0 : i32
    %c0_i32_1 = arith.constant 0 : i32
    return %c0_i32, %c0_i32_0 : i32, i32
  }
  func.func @transform_3(%arg0: i32, %arg1: i32) -> (i32, i32, i32) {
    %c0_i32 = arith.constant 0 : i32
    %c0_i32_0 = arith.constant 0 : i32
    return %arg0, %c0_i32, %arg1 : i32, i32, i32
  }
}

</mosaic_0001>

<sc_bundles>
// kernel: kernel.5.cloned.1.call-start
scs
__scs_entry_jumppad:
0x0: {  	(pc) =	sbr.rel $0x88, $3  }
0x1: {  	(tag) =	ssettag $0x0;
	lr =	simm.s32 $0x1  }
0x2: {  	[smem:$0x3F99] =	sst lr;
	_ =	strace $0xD0000000  }
0x3: {  	_ = 	snop  }
0x4: {  	_ = 	snop  }
0x5: {  	_ = 	snop  }
0x6: {  	_ = 	snop  }
0x7: {  	_ = 	snop  }
__scs_overlays_trampoline_lowered:
0x8: {  	[smem:$0x3FA8] =	sst s0  }
0x9: {  	[smem:$0x3FA9] =	sst s1  }
0xa: {  	[smem:$0x3FAA] =	sst s2  }
0xb: {  	[smem:$0x3FAB] =	sst s3  }
0xc: {  	[smem:$0x3FAC] =	sst s4  }
0xd: {  	[smem:$0x3FAD] =	sst s5  }
0xe: {  	[smem:$0x3FAE] =	sst s6  }
0xf: {  	[smem:$0x3FAF] =	sst s7  }
0x10: {  	[smem:$0x3FB0] =	sst s8  }
0x11: {  	[smem:$0x3FB1] =	sst s9;
	s0 =	simm.s32 @!p0 $0x0  }
0x12: {  	s1 =	sld [smem:$0x3F97];
	s0 =	simm.s32 @p0 $0x1  }
0x13: {  	[smem:$0x3FB2] =	sst s0;
	s0 =	simm.s32 @!p1 $0x0  }
0x14: {  	s2 =	sld [smem:$0x3F96];
	s0 =	simm.s32 @p1 $0x1  }
0x15: {  	[smem:$0x3FB3] =	sst s0;
	s0 =	simm.s32 @!p2 $0x0  }
0x16: {  	s3 =	sld [smem:$0x3FDB];
	s0 =	simm.s32 @p2 $0x1  }
0x17: {  	s4 =	simm.s32 $0x1BF5;
	[smem:$0x3FB5] =	sst s0  }
0x18: {  	s0 =	sld [smem:$0x3F98];
	_ =	swait.ge [sflag:s4], $0x0  }
0x19: {  	s7 =	sld [smem:$0x3F99]  }
0x1a: {  	s8 =	sadd.s32 $0xFFFFE003, lr  }
0x1b: {  	s9 =	sadd.s32 $0xFFFFFEF7, lr;
	s5 =	simm.s32 $0xFFFFFFFF;
	p2 =	slt.u32 s8, $0xFFFFF086  }
0x1c: {  	p1 =	slt.u32 s9, $0xF7A;
	s5 =	simm.s32 @!p2 $0x0  }
0x1d: {  	s5 =	simm.s32 @p1 $0x1;
	p0 =	seq.s32 s7, s2  }
0x1e: {  	s7 =	smul.u32 @!p0 $0xF7A, s2;
	p2 =	seq.s32 @!p0 s5, $0x0  }
0x1f: {  	s9 =	smul.u32 $0xF7A, s1;
	s8 =	simm.s32 @!p0 $0x1BF5;
	p2 =	por !p2, p0  }
0x20: {  	[sflag:s8] =	ssyncset.s32 @!p0 $0xFFFFF086;
	s6 =	sadd.s32 @!p0 s3, s7;
	s7 =	simm.s32 @!p0 $0x108  }
0x21: {  	s3 =	sadd.s32 s3, s9;
	s6 =	sadd.s32 @!p0 $0x88, s6;
	s7 =	simm.s32 @p2 $0x1082  }
0x22: {  	[simem:s7], [sflag:s8] =	dma.local @!p0 [hbm:s6], $0xF7A  }
0x23: {  	s9 =	sor.u32 $0xD0000000, s2;
	s6 =	simm.s32 $0x108;
	_ =	swait.ge @!p0 [sflag:s8], $0x0  }
0x24: {  	s3 =	sadd.s32 $0x88, s3;
	s6 =	simm.s32 @!p1 $0x1082;
	[sflag:s4] =	ssyncset.s32 $0xFFFFF086  }
0x25: {  	[simem:s6], [sflag:s4] =	dma.local [hbm:s3], $0xF7A  }
0x26: {  	[smem:$0x3F99] =	sst s1;
	(tag) =	ssettag s2;
	_ =	strace s9  }
0x27: {  	s1 =	sld [smem:$0x3FA9]  }
0x28: {  	s2 =	sld [smem:$0x3FAA]  }
0x29: {  	s4 =	sld [smem:$0x3FAC]  }
0x2a: {  	p0 =	seq.s32 s5, $0x0;
	s5 =	sld [smem:$0x3FAD]  }
0x2b: {  	s6 =	sld [smem:$0x3FAE]  }
0x2c: {  	s7 =	sld [smem:$0x3FAF]  }
0x2d: {  	s3 =	simm.s32 $0x108;
	s8 =	sld [smem:$0x3FB0]  }
0x2e: {  	s3 =	simm.s32 @!p0 $0x1082;
	s9 =	sld [smem:$0x3FB1]  }
0x2f: {  	lr =	sadd.s32 s0, s3;
	s0 =	sld [smem:$0x3FA8]  }
0x30: {  	s3 =	sld [smem:$0x3FAB]  }
0x31: {  	[smem:$0x3FB4] =	sst s10  }
0x32: {  	s10 =	sld [smem:$0x3FB2];
	_ =	sdelay $0x3  }
0x33: {  	p0 =	seq.s32 s10, $0x1;
	s10 =	sld [smem:$0x3FB4];
	_ =	sdelay $0x3  }
0x34: {  	[smem:$0x3FB4] =	sst s10  }
0x35: {  	s10 =	sld [smem:$0x3FB3];
	_ =	sdelay $0x3  }
0x36: {  	p1 =	seq.s32 s10, $0x1;
	s10 =	sld [smem:$0x3FB4];
	_ =	sdelay $0x3  }
0x37: {  	[smem:$0x3FB4] =	sst s10  }
0x38: {  	s10 =	sld [smem:$0x3FB5]  }
0x39: {  	_ = 	snop;
	(pc) =	sbr.ind lr, $3  }
0x3a: {  	_ = 	snop  }
0x3b: {  	_ = 	snop  }
0x3c: {  	p2 =	seq.s32 s10, $0x1;
	s10 =	sld [smem:$0x3FB4]  }
0x3d: {  	_ =	shalt  }
0x3e: {  	_ =	shalt  }
0x3f: {  	_ =	shalt  }
0x40: {  	_ =	shalt  }
0x41: {  	_ =	shalt  }
0x42: {  	_ =	shalt  }
0x43: {  	_ =	shalt  }
0x44: {  	_ =	shalt  }
0x45: {  	_ =	shalt  }
0x46: {  	_ =	shalt  }
0x47: {  	_ =	shalt  }
0x48: {  	_ =	shalt  }
0x49: {  	_ =	shalt  }
0x4a: {  	_ =	shalt  }
0x4b: {  	_ =	shalt  }
0x4c: {  	_ =	shalt  }
0x4d: {  	_ =	shalt  }
0x4e: {  	_ =	shalt  }
0x4f: {  	_ =	shalt  }
0x50: {  	_ =	shalt  }
0x51: {  	_ =	shalt  }
0x52: {  	_ =	shalt  }
0x53: {  	_ =	shalt  }
0x54: {  	_ =	shalt  }
0x55: {  	_ =	shalt  }
0x56: {  	_ =	shalt  }
0x57: {  	_ =	shalt  }
0x58: {  	_ =	shalt  }
0x59: {  	_ =	shalt  }
0x5a: {  	_ =	shalt  }
0x5b: {  	_ =	shalt  }
0x5c: {  	_ =	shalt  }
0x5d: {  	_ =	shalt  }
0x5e: {  	_ =	shalt  }
0x5f: {  	_ =	shalt  }
0x60: {  	_ =	shalt  }
0x61: {  	_ =	shalt  }
0x62: {  	_ =	shalt  }
0x63: {  	_ =	shalt  }
0x64: {  	_ =	shalt  }
0x65: {  	_ =	shalt  }
0x66: {  	_ =	shalt  }
0x67: {  	_ =	shalt  }
0x68: {  	_ =	shalt  }
0x69: {  	_ =	shalt  }
0x6a: {  	_ =	shalt  }
0x6b: {  	_ =	shalt  }
0x6c: {  	_ =	shalt  }
0x6d: {  	_ =	shalt  }
0x6e: {  	_ =	shalt  }
0x6f: {  	_ =	shalt  }
0x70: {  	_ =	shalt  }
0x71: {  	_ =	shalt  }
0x72: {  	_ =	shalt  }
0x73: {  	_ =	shalt  }
0x74: {  	_ =	shalt  }
0x75: {  	_ =	shalt  }
0x76: {  	_ =	shalt  }
0x77: {  	_ =	shalt  }
0x78: {  	_ =	shalt  }
0x79: {  	_ =	shalt  }
0x7a: {  	_ =	shalt  }
0x7b: {  	_ =	shalt  }
0x7c: {  	_ =	shalt  }
0x7d: {  	_ =	shalt  }
0x7e: {  	_ =	shalt  }
0x7f: {  	_ =	shalt  }
0x80: {  	_ =	shalt  }
0x81: {  	_ =	shalt  }
0x82: {  	_ =	shalt  }
0x83: {  	_ =	shalt  }
0x84: {  	_ =	shalt  }
0x85: {  	_ =	shalt  }
0x86: {  	_ =	shalt  }
0x87: {  	_ =	shalt  }
.Lfunc_end0:
.L_simem_size_0:
called_computation_lowered:
.L_overlay_start_0:
0x88: {  	s2 =	sld [smem:$0x3FD9]  }
0x89: {  	s3 =	sld [smem:$0x3FFE];
	_ =	sdelay $0x1  }
0x8a: {  	s1 =	srdreg.scid  }
0x8b: {  	s0 =	sand.u32 $0x1, s1  }
0x8c: {  	s14 =	sshll.u32 s0, $0xA;
	s2 =	sadd.s32 s3, s2  }
0x8d: {  	s2 =	sadd.s32 s2, s14  }
0x8e: {  	[smem:$0x3FC0] =	sst s2  }
0x8f: {  	_ = 	snop  }
0x90: {  	s2 =	sld [smem:$0x3FD0];
	_ =	sdelay $0x2  }
0x91: {  	s15 =	simm.s32 $0xA;
	s4 =	simm.s32 $0x10  }
0x92: {  	[smem:s4], [sflag:s15] =	dma.local [hbm:s2], $0x1  }
0x93: {  	_ =	swait.eq [sflag:s15], $0x1  }
0x94: {  	[sflag:s15] =	ssyncset.done $0x0  }
0x95: {  	[sflag:s15] =	ssyncadd.s32 $0xFFFFFFFF  }
0x96: {  	s16 =	sld [smem:$0x10];
	(tm) =	ssettm $0x1  }
0x97: {  	s17 =	sld [smem:$0x3FFB];
	_ =	sdelay $0x3  }
0x98: {  	_ =	strace s17  }
0x99: {  	s3 =	sld [smem:$0x3FFC];
	_ =	sdelay $0x3  }
0x9a: {  	_ =	strace s3  }
0x9b: {  	s3 =	sld [smem:$0x3FFD];
	_ =	sdelay $0x3  }
0x9c: {  	_ =	strace s3  }
0x9d: {  	_ =	strace $0x8FFFFFFF  }
0x9e: {  	s18 =	sld [smem:$0x3FDB];
	_ =	sdelay $0x1  }
0x9f: {  	s19 =	simm.s32 $_scs_section_size  }
0xa0: {  	s5 =	simm.s32 $_size__tile_overlayer_lowered;
	s6 =	simm.s32 $_tile_overlayer_lowered  }
0xa1: {  	s22 =	simm.s32 $0x1BFF;
	s21 =	sshll.u32 s6, $0x1;
	s3 =	sadd.s32 s19, s18  }
0xa2: {  	s7 =	simm.s32 $0x0;
	s20 =	sshll.u32 s5, $0x1;
	s5 =	sadd.s32 s21, s3  }
0xa3: {  	[timem:s7], [sflag:s22] =	dma.local [hbm:s5], s20  }
0xa4: {  	_ =	swait.ge [sflag:s22], s20  }
0xa5: {  	s4 =	ssub.s32 $0x0, s20;
	[sflag:s22] =	ssyncset.done $0x0  }
0xa6: {  	[sflag:s22] =	ssyncadd.s32 s4;
	_ =	sdelay $0x1  }
0xa7: {  	s23 =	simm.s32 $0x1B8B  }
0xa8: {  	_ =	swait.ge [sflag:s23], $0x1  }
0xa9: {  	[sflag:s23] =	ssyncset.done $0x0  }
0xaa: {  	s25 =	simm.s32 $0x1B8E;
	s24 =	sld [smem:$0x3FFE];
	[sflag:s23] =	ssyncadd.s32 $0xFFFFFFFF  }
0xab: {  	s26 =	simm.s32 $execute0_lowered;
	[smem:$0x3FD2] =	sst s25  }
0xac: {  	s5 =	sshll.u32 s26, $0x1;
	_ =	strace $0x80000046;
	[dreg:$0x1] =	wrdreg $0xFFFFFFFF  }
0xad: {  	s28 =	simm.s32 $_size_execute0_lowered;
	s3 =	sadd.s32 s3, s5;
	[dreg:$0x0] =	wrdreg $0x0  }
0xae: {  	s5 =	sshll.u32 s28, $0x1;
	[dreg:$0x2] =	wrdreg s3  }
0xaf: {  	[dreg:$0x3] =	wrdreg s5  }
0xb0: {  	[dreg:$0x4] =	wrdreg $0xC0  }
0xb1: {  	_ =	task [dreg:s7], $0x5FFFF  }
0xb2: {  	[dreg:$0x1] =	wrdreg $0xFFFFFFFF  }
0xb3: {  	[dreg:$0x0] =	wrdreg $0x60  }
0xb4: {  	[dreg:$0x2] =	wrdreg s24  }
0xb5: {  	[dreg:$0x3] =	wrdreg s16  }
0xb6: {  	[dreg:$0x4] =	wrdreg $0x9  }
0xb7: {  	_ =	task.clear_ibuf [dreg:s7], $0x5FFFF;
	_ =	strace $0x90000046  }
0xb8: {  	s29 =	simm.s32 $0x9;
	_ =	strace $0x80000048  }
0xb9: {  	_ =	swait.ge [sflag:s29], $0x1  }
0xba: {  	[sflag:s29] =	ssyncadd.s32 $0xFFFFFFFF  }
0xbb: {  	_ =	strace $0x90000048  }
0xbc: {  	_ =	sfence  }
0xbd: {  	s30 =	sld [smem:$0x0];
	_ =	sdelay $0x2  }
0xbe: {  	s31 =	sshll.u32 s1, $0xD;
	s1 =	sshrl.u32 s1, $0x2  }
0xbf: {  	s3 =	sand.u32 $0x4000, s31;
	s1 =	sadd.s32 s1, s30  }
0xc0: {  	s0 =	sor.u32 s3, s0;
	s1 =	sshll.u32 s1, $0x11  }
0xc1: {  	s0 =	sor.u32 s1, s0  }
0xc2: {  	s0 =	sadd.s32 $0x8F2B, s0  }
0xc3: {  	[sflag:s0] =	ssyncadd.remote.s32 $0x1  }
0xc4: {  	_ =	sfence.sel $0xFFFF  }
0xc5: {  	[dreg:$0x0] =	wrdreg $0xFFFFFFFF;
	(pc) =	sbr.abs _section_cstart, $3  }
0xc6: {  	[dreg:$0x1] =	wrdreg $0xFFFFFFFF  }
0xc7: {  	_ =	task.clear_ibuf [dreg:s7], $0x2FFFF;
	_ =	strace $0x9FFFFFFF  }
0xc8: {  	(tm) =	ssettm $0x7FFFFFFF  }
0xc9: {  	_ =	shalt  }
tec
execute0_lowered:
.L_overlay_start_1:
0x0: {  	(tag) =	ssettag $0x1  }
0x1: {  	s1 =	srdreg.scid  }
0x2: {  	s0 =	stileid.u32;
	s14 =	sand.u32 $0x1, s1  }
0x3: {  	s5 =	rddreg [dreg:$0x0];
	s29 =	sshll.u32 s0, $0xA;
	s2 =	sshll.u32 s14, $0x9  }
0x4: {  	s15 =	rddreg [dreg:$0x1];
	s16 =	sor.u32 s2, s29  }
0x5: {  	s1 =	rddreg [dreg:$0x2];
	s2 =	simm.s32 $0x0;
	s3 =	sshrl.u32 s16, $0x3  }
0x6: {  	[smem:$0x7FF] =	sst s2;
	s3 =	sadd.s32 s3, s5  }
0x7: {  	_ =	strace $0x80000047;
	s4 =	sadd.s32 $0x600, s3;
	s3 =	simm.s32 $0x2  }
0x8: {  	[tilespmem:s2], [sflag:$0x2] =	stream.linear.gather [hbm4b:s4+s2], $0x200, $0x38;
	[tilespmem:$0x10200] =	vst v63  }
0x9: {  	_ =	swait.ge [sflag:s3], $0x200  }
0xa: {  	s6 =	simm.s32 $0x80;
	[sflag:s3] =	ssyncset.done $0x0  }
0xb: {  	s7 =	simm.s32 $0x200;
	s5 =	sadd.s32 $0xE00, s5;
	[sflag:s3] =	ssyncadd.s32 $0xFFFFFE00  }
0xc: {  	[tilespmem:s7], [sflag:$0x1] =	stream.indirect.gather [hbm4b:s5+s6], $0x80, s2, s6, $0xb8;
	[tilespmem:$0x10200] =	vst v63  }
0xd: {  	s8 =	simm.s32 $0x4200  }
0xe: {  	[tilespmem:s8], [sflag:$0x1] =	stream.indirect.gather [hbm4b:s5+s6], $0x80, s6, s6, $0xb8;
	[tilespmem:$0x10200] =	vst v63  }
0xf: {  	s9 =	simm.s32 $0x100;
	s10 =	simm.s32 $0x8200  }
0x10: {  	[tilespmem:s10], [sflag:$0x1] =	stream.indirect.gather [hbm4b:s5+s6], $0x80, s9, s6, $0xb8;
	[tilespmem:$0x10200] =	vst v63  }
0x11: {  	s11 =	simm.s32 $0x180;
	s12 =	simm.s32 $0xC200;
	s13 =	simm.s32 $0x1  }
0x12: {  	[tilespmem:s12], [sflag:$0x1] =	stream.indirect.gather [hbm4b:s5+s6], $0x80, s11, s6, $0xb8;
	[tilespmem:$0x10200] =	vst v63  }
0x13: {  	_ =	swait.ge [sflag:s13], $0x4000  }
0x14: {  	[sflag:s13] =	ssyncset.done $0x0  }
0x15: {  	[sflag:s13] =	ssyncadd.s32 $0xFFFFC000  }
0x16: {  	_ =	swait.ge [sflag:s13], $0x4000  }
0x17: {  	[sflag:s13] =	ssyncset.done $0x0  }
0x18: {  	s14 =	ssub.s32 $0x2, s14;
	[sflag:s13] =	ssyncadd.s32 $0xFFFFC000  }
0x19: {  	s17 =	sshrl.u32 s14, $0x1;
	_ =	swait.ge [sflag:s13], $0x4000  }
0x1a: {  	s17 =	ssub.s32 s14, s17;
	[sflag:s13] =	ssyncset.done $0x0  }
0x1b: {  	s31 =	smax.u32 s17, $0x1;
	[sflag:s13] =	ssyncadd.s32 $0xFFFFC000  }
0x1c: {  	p0 =	sne.s32 s31, $0x1;
	_ =	swait.ge [sflag:s13], $0x4000  }
.Ltmp0:
0x1d: {  	s30 =	sshll.u32 s16, $0x4;
	[sflag:s13] =	ssyncset.done $0x0;
	(pc) =	sbr.rel @!p0 .LBB2_2-.Ltmp0, $4  }
0x1e: {  	s14 =	sadd.s32 s15, s30;
	[sflag:s13] =	ssyncadd.s32 $0xFFFFC000  }
0x1f: {  	[hbm4b:s14+s2] =	stream.linear.scatter [tilespmem:s7], [sflag:$0x2], $0x10000, $0x38;
	[tilespmem:$0x10200] =	vst v63  }
0x20: {  	_ =	swait.ge [sflag:s3], $0x10000  }
0x21: {  	s15 =	sadd.s32 $0xFFFFFFFF, s31;
	[sflag:s3] =	ssyncset.done $0x0  }
.LBB2_1:
0x22: {  	p0 =	sne.s32 s15, $0x1;
	s15 =	sadd.s32 $0xFFFFFFFF, s15;
	[sflag:s3] =	ssyncadd.s32 $0xFFFF0000  }
0x23: {  	[tilespmem:s2], [sflag:$0x2] =	stream.linear.gather [hbm4b:s4+s2], $0x200, $0x38;
	[tilespmem:$0x10200] =	vst v63  }
0x24: {  	_ =	swait.ge [sflag:s3], $0x200  }
0x25: {  	[sflag:s3] =	ssyncset.done $0x0  }
0x26: {  	[sflag:s3] =	ssyncadd.s32 $0xFFFFFE00  }
0x27: {  	[tilespmem:s7], [sflag:$0x1] =	stream.indirect.gather [hbm4b:s5+s6], $0x80, s2, s6, $0xb8;
	[tilespmem:$0x10200] =	vst v63  }
0x28: {  	_ = 	snop  }
0x29: {  	[tilespmem:s8], [sflag:$0x1] =	stream.indirect.gather [hbm4b:s5+s6], $0x80, s6, s6, $0xb8;
	[tilespmem:$0x10200] =	vst v63  }
0x2a: {  	_ = 	snop  }
0x2b: {  	[tilespmem:s10], [sflag:$0x1] =	stream.indirect.gather [hbm4b:s5+s6], $0x80, s9, s6, $0xb8;
	[tilespmem:$0x10200] =	vst v63  }
0x2c: {  	_ = 	snop  }
0x2d: {  	[tilespmem:s12], [sflag:$0x1] =	stream.indirect.gather [hbm4b:s5+s6], $0x80, s11, s6, $0xb8;
	[tilespmem:$0x10200] =	vst v63  }
0x2e: {  	_ =	swait.ge [sflag:s13], $0x4000  }
0x2f: {  	[sflag:s13] =	ssyncset.done $0x0  }
0x30: {  	[sflag:s13] =	ssyncadd.s32 $0xFFFFC000  }
0x31: {  	_ =	swait.ge [sflag:s13], $0x4000  }
0x32: {  	[sflag:s13] =	ssyncset.done $0x0  }
0x33: {  	[sflag:s13] =	ssyncadd.s32 $0xFFFFC000  }
0x34: {  	_ =	swait.ge [sflag:s13], $0x4000  }
0x35: {  	[sflag:s13] =	ssyncset.done $0x0  }
0x36: {  	[sflag:s13] =	ssyncadd.s32 $0xFFFFC000  }
0x37: {  	_ =	swait.ge [sflag:s13], $0x4000  }
.Ltmp1:
0x38: {  	[sflag:s13] =	ssyncset.done $0x0;
	(pc) =	sbr.rel @p0 .LBB2_1-.Ltmp1, $4  }
0x39: {  	[sflag:s13] =	ssyncadd.s32 $0xFFFFC000  }
0x3a: {  	[hbm4b:s14+s2] =	stream.linear.scatter [tilespmem:s7], [sflag:$0x2], $0x10000, $0x38;
	[tilespmem:$0x10200] =	vst v63  }
0x3b: {  	_ =	swait.ge [sflag:s3], $0x10000  }
0x3c: {  	[sflag:s3] =	ssyncset.done $0x0  }
.LBB2_2:
0x3d: {  	[sflag:s3] =	ssyncadd.s32 $0xFFFF0000  }
0x3e: {  	_ =	sfence.sel $0x180000  }
0x3f: {  	[bflag:$0x0] =	sbarrier.arrive $0xFFFF  }
0x40: {  	p0 =	sne.s32 s0, $0x0;
	_ =	strace $0x90000047  }
0x41: {  	s0 =	sadd.s32 @!p0 $0x100000, s1;
	[bflag:$0x2] =	sbarrier.arrive $0xFFFF  }
0x42: {  	[sflag:s0] =	ssyncadd.tile.s32 @!p0 $0x1;
	_ =	shalt  }
.Lfunc_end2:
_tile_overlayer_lowered:
.L_overlay_start_2:
0x43: {  	(tag) =	ssettag $0x2  }
0x44: {  	s0 =	rddreg [dreg:$0x0];
	s2 =	stileid.u32  }
0x45: {  	s1 =	rddreg [dreg:$0x1];
	p0 =	sne.s32 s2, $0x0  }
0x46: {  	s3 =	rddreg [dreg:$0x2];
	[bflag:$0x3] =	sbarrier.arrive $0xFFFF;
	s2 =	simm.s32 @!p0 $0x1C02  }
0x47: {  	[timem:s3], [sflag:s2] =	dma.local @!p0 [hbm:s0], s1  }
0x48: {  	s0 =	simm.s32 @!p0 $0x2  }
0x49: {  	_ =	swait.ge @!p0 [sflag:s0], s1  }
0x4a: {  	s1 =	ssub.s32 @!p0 $0x0, s1;
	[sflag:s0] =	ssyncset.done @!p0 $0x0  }
0x4b: {  	[sflag:s0] =	ssyncadd.s32 @!p0 s1  }
0x4c: {  	[bflag:$0x3] =	sbarrier.arrive $0xFFFF  }
0x4d: {  	_ =	shalt  }

</sc_bundles>
